<compile_context>
chip_gen: v7x
topology: tpu7x:2x2x1
jax: 0.10.2.dev20260603
libtpu: 0.0.44.dev20260713+nightly
codegen_flags: <defaults>
</compile_context>

<pallas_src>
import jax
import jax.numpy as jnp
from jax.experimental import pallas as pl
from jax.experimental.pallas import tpu as pltpu

MODEL_DIM = 2048
NUM_EXPERTS = 8
NUM_TOKENS = 4096
CAPACITY = 512
TOKEN_BLOCK = 256
GRID = NUM_TOKENS // TOKEN_BLOCK


def _router_kernel(x_ref, w_ref, laux_ref, combine_ref, dispatch_ref,
                   counts_ref, gsum_ref):
    i = pl.program_id(0)

    @pl.when(i == 0)
    def _init():
        counts_ref[...] = jnp.zeros_like(counts_ref)
        gsum_ref[...] = jnp.zeros_like(gsum_ref)

    x = x_ref[...]
    w = w_ref[...]
    logits = jax.lax.dot_general(
        x, w, (((1,), (1,)), ((), ())), preferred_element_type=jnp.float32)
    m = jnp.max(logits, axis=1, keepdims=True)
    e = jnp.exp(logits - m)
    s = jnp.sum(e, axis=1, keepdims=True)
    gates = e / s

    eids = jax.lax.broadcasted_iota(jnp.int32, (TOKEN_BLOCK, NUM_EXPERTS), 1)
    gmax = jnp.max(gates, axis=1, keepdims=True)
    idx = jnp.min(jnp.where(gates == gmax, eids, NUM_EXPERTS),
                  axis=1, keepdims=True)
    mask = (eids == idx).astype(jnp.float32)

    r = jax.lax.broadcasted_iota(jnp.int32, (TOKEN_BLOCK, TOKEN_BLOCK), 0)
    c = jax.lax.broadcasted_iota(jnp.int32, (TOKEN_BLOCK, TOKEN_BLOCK), 1)
    tri = (c <= r).astype(jnp.float32)
    cum = jax.lax.dot_general(
        tri, mask, (((1,), (0,)), ((), ())), preferred_element_type=jnp.float32)

    base = counts_ref[...]
    loc = cum + base - 1.0
    loc_tok = jnp.sum(loc * mask, axis=1, keepdims=True)
    keep = loc_tok < float(CAPACITY)
    target = jnp.where(keep, idx * CAPACITY + loc_tok.astype(jnp.int32), -1)

    col = jax.lax.broadcasted_iota(
        jnp.int32, (TOKEN_BLOCK, NUM_EXPERTS * CAPACITY), 1)
    hit = col == target
    combine_ref[...] = jnp.where(hit, gmax, 0.0)
    dispatch_ref[...] = hit

    counts_ref[...] = base + jnp.sum(mask, axis=0, keepdims=True)
    gsum_ref[...] = gsum_ref[...] + jnp.sum(gates, axis=0, keepdims=True)

    @pl.when(i == GRID - 1)
    def _finalize():
        me_ce = jnp.sum(counts_ref[...] * gsum_ref[...], keepdims=True)
        n = float(NUM_TOKENS)
        laux_ref[...] = me_ce / (n * n) * float(NUM_EXPERTS)


def kernel(input, wg_weight):
    laux, combine2d, dispatch2d = pl.pallas_call(
        _router_kernel,
        grid=(GRID,),
        in_specs=[
            pl.BlockSpec((TOKEN_BLOCK, MODEL_DIM), lambda i: (i, 0)),
            pl.BlockSpec((NUM_EXPERTS, MODEL_DIM), lambda i: (0, 0)),
        ],
        out_specs=[
            pl.BlockSpec((1, 1), lambda i: (0, 0)),
            pl.BlockSpec((TOKEN_BLOCK, NUM_EXPERTS * CAPACITY), lambda i: (i, 0)),
            pl.BlockSpec((TOKEN_BLOCK, NUM_EXPERTS * CAPACITY), lambda i: (i, 0)),
        ],
        out_shape=[
            jax.ShapeDtypeStruct((1, 1), jnp.float32),
            jax.ShapeDtypeStruct((NUM_TOKENS, NUM_EXPERTS * CAPACITY), jnp.float32),
            jax.ShapeDtypeStruct((NUM_TOKENS, NUM_EXPERTS * CAPACITY), jnp.bool_),
        ],
        scratch_shapes=[
            pltpu.VMEM((1, NUM_EXPERTS), jnp.float32),
            pltpu.VMEM((1, NUM_EXPERTS), jnp.float32),
        ],
        compiler_params=pltpu.CompilerParams(
            dimension_semantics=("arbitrary",),
        ),
    )(input, wg_weight)
    combine = combine2d.reshape(NUM_TOKENS, NUM_EXPERTS, CAPACITY)
    dispatch = dispatch2d.reshape(NUM_TOKENS, NUM_EXPERTS, CAPACITY)
    return (laux[0, 0], combine, dispatch)

# --- scband reference (transcript-rebuilt; emitter-appended) ---
"""Pipeline reference for scband-top1-gate-66614942761618 (READ-ONLY COPY).

The authoritative reference and input builder live on the scoring server;
editing this copy changes nothing except your own understanding.
"""

import jax, jax.numpy as jnp
import numpy as np
import math

MODEL_DIM = 2048
NUM_EXPERTS = 8
NUM_TOKENS = 4096
CAPACITY_FACTOR = 1.0


def setup_inputs(seed: int = 0) -> dict:
    key = jax.random.key(seed)
    k1, k2 = jax.random.split(key)
    x = jax.random.normal(k1, (NUM_TOKENS, MODEL_DIM), dtype=jnp.float32)
    # nn.Linear(model_dim, num_experts, bias=False) weight: [num_experts, model_dim]
    bound = 1.0 / math.sqrt(MODEL_DIM)
    wg_weight = jax.random.uniform(k2, (NUM_EXPERTS, MODEL_DIM), dtype=jnp.float32, minval=-bound, maxval=bound)
    return {"input": x, "wg_weight": wg_weight}


def reference(input, wg_weight):
    # logits = self.wg(input)
    logits = input @ wg_weight.T
    gates = jax.nn.softmax(logits, axis=1)
    num_tokens = gates.shape[0]
    num_experts = gates.shape[1]
    # training mode (eval_mode=False): capacity = int(capacity_factor * ceil(tokens/experts))
    capacity = int(CAPACITY_FACTOR * math.ceil(num_tokens / num_experts))
    indices1_s = jnp.argmax(gates, axis=1)
    mask1 = jax.nn.one_hot(indices1_s, num_experts, dtype=jnp.int32)
    # gates1_s computed BEFORE capacity masking (matches torch order)
    gates1_s = (gates * mask1.astype(gates.dtype)).sum(axis=1)
    # locations via cumsum over tokens (batch_prioritized_routing=False)
    locations1 = jnp.cumsum(mask1, axis=0) - 1
    # aux loss
    me = jnp.mean(gates, axis=0)
    ce = jnp.mean(mask1.astype(gates.dtype), axis=0)
    l_aux = jnp.mean(me * ce) * num_experts * num_experts
    # capacity mask
    mask1 = mask1 * (locations1 < capacity).astype(mask1.dtype)
    locations1_s = jnp.sum(locations1 * mask1, axis=1)
    gates1 = gates1_s[:, None] * mask1.astype(gates.dtype)
    locations1_sc = jax.nn.one_hot(locations1_s, capacity, dtype=gates.dtype)
    # combine1_sec = bmm(gates1[:, :, None], locations1_sc[:, None, :])
    combine1_sec = jnp.einsum('se,sc->sec', gates1, locations1_sc)
    dispatch_mask = combine1_sec.astype(bool)
    return (l_aux, combine1_sec, dispatch_mask)

if __name__ == "__main__":
    import jax
    _d = setup_inputs()
    print(jax.jit(kernel)(*tuple(_d.values())))

</pallas_src>

<mosaic_0001>
module attributes {stable_mosaic.version = 14 : i64} {
  func.func @_router_kernel(%arg0: i32, %arg1: memref<256x2048xf32, #tpu.memory_space<vmem>>, %arg2: memref<8x2048xf32, #tpu.memory_space<vmem>>, %arg3: memref<1x1xf32, #tpu.memory_space<vmem>>, %arg4: memref<256x4096xf32, #tpu.memory_space<vmem>>, %arg5: memref<256x4096xi32, #tpu.memory_space<vmem>>, %arg6: memref<1x8xf32, #tpu.memory_space<vmem>>, %arg7: memref<1x8xf32, #tpu.memory_space<vmem>>) attributes {dimension_semantics = [#tpu.dimension_semantics<arbitrary>], iteration_bounds = array<i64: 16>, scalar_prefetch = 0 : i64, scratch_operands = 2 : i64, tpu.core_type = #tpu.core_type<tc>, window_params = [{transform_indices = @transform_0, window_bounds = array<i64: 256, 2048>}, {pipeline_mode = #tpu.pipeline_mode<synchronous>, transform_indices = @transform_1, window_bounds = array<i64: 8, 2048>}, {pipeline_mode = #tpu.pipeline_mode<synchronous>, transform_indices = @transform_2, window_bounds = array<i64: 1, 1>}, {transform_indices = @transform_3, window_bounds = array<i64: 256, 4096>}, {transform_indices = @transform_4, window_bounds = array<i64: 256, 4096>}]} {
    %eq3A = arith.constant 0 : i32
    %eq3A_0 = arith.cmpi eq, %arg0, %eq3A : i32
    %convert_element_type3A = arith.extui %eq3A_0 : i1 to i32
    %cond3A = arith.constant 0 : i32
    %cond3A_1 = arith.cmpi ne, %convert_element_type3A, %cond3A : i32
    scf.if %cond3A_1 {
      %broadcast_in_dim3A_89 = arith.constant 0.000000e+00 : f32
      %broadcast_in_dim3A_90 = vector.broadcast %broadcast_in_dim3A_89 : f32 to vector<1x8xf32>
      %swap3A_91 = arith.constant 0 : index
      %swap3A_92 = arith.constant 0 : index
      %swap3A_93 = vector.load %arg6[%swap3A_91, %swap3A_92] : memref<1x8xf32, #tpu.memory_space<vmem>>, vector<1x8xf32>
      tpu.vector_store %arg6[%swap3A_91, %swap3A_92], %broadcast_in_dim3A_90 {strides = array<i32>} : memref<1x8xf32, #tpu.memory_space<vmem>>, vector<1x8xf32>,
      %broadcast_in_dim3A_94 = arith.constant 0.000000e+00 : f32
      %broadcast_in_dim3A_95 = vector.broadcast %broadcast_in_dim3A_94 : f32 to vector<1x8xf32>
      %swap3A_96 = arith.constant 0 : index
      %swap3A_97 = arith.constant 0 : index
      %swap3A_98 = vector.load %arg7[%swap3A_96, %swap3A_97] : memref<1x8xf32, #tpu.memory_space<vmem>>, vector<1x8xf32>
      tpu.vector_store %arg7[%swap3A_96, %swap3A_97], %broadcast_in_dim3A_95 {strides = array<i32>} : memref<1x8xf32, #tpu.memory_space<vmem>>, vector<1x8xf32>,
    } else {
    }
    %get3A = arith.constant 0 : index
    %get3A_2 = arith.constant 0 : index
    %get3A_3 = vector.load %arg1[%get3A, %get3A_2] : memref<256x2048xf32, #tpu.memory_space<vmem>>, vector<256x2048xf32>
    %get3A_4 = arith.constant 0 : index
    %get3A_5 = arith.constant 0 : index
    %get3A_6 = vector.load %arg2[%get3A_4, %get3A_5] : memref<8x2048xf32, #tpu.memory_space<vmem>>, vector<8x2048xf32>
    %dot_general3A = arith.constant dense<0.000000e+00> : vector<256x8xf32>
    %dot_general3A_7 = tpu.matmul %get3A_3, %get3A_6, %dot_general3A {dimension_numbers = #tpu.dot_dimension_numbers<[1], [1], [0], [0], [0, 0, 1, 0], [], []>, transpose_lhs_hint = false} : vector<256x2048xf32>, vector<8x2048xf32>, vector<256x8xf32> -> vector<256x8xf32>
    %reduce_max3A = arith.constant dense<0xFF800000> : vector<256xf32>
    %reduce_max3A_8 = vector.multi_reduction <maximumf>, %dot_general3A_7, %reduce_max3A [1] : vector<256x8xf32> to vector<256xf32>
    %broadcast_in_dim3A = vector.shape_cast %reduce_max3A_8 : vector<256xf32> to vector<256x1xf32>
    %sub3A = vector.broadcast %broadcast_in_dim3A : vector<256x1xf32> to vector<256x8xf32>
    %sub3A_9 = arith.subf %dot_general3A_7, %sub3A : vector<256x8xf32>
    %exp3A = math.exp %sub3A_9 : vector<256x8xf32>
    %reduce_sum3A = arith.constant dense<0.000000e+00> : vector<256xf32>
    %reduce_sum3A_10 = vector.multi_reduction <add>, %exp3A, %reduce_sum3A [1] : vector<256x8xf32> to vector<256xf32>
    %broadcast_in_dim3A_11 = vector.shape_cast %reduce_sum3A_10 : vector<256xf32> to vector<256x1xf32>
    %div3A = vector.broadcast %broadcast_in_dim3A_11 : vector<256x1xf32> to vector<256x8xf32>
    %div3A_12 = arith.divf %exp3A, %div3A : vector<256x8xf32>
    %iota3A = tpu.iota {dimensions = array<i32: 1>} : vector<256x8xi32>
    %reduce_max3A_13 = arith.constant dense<0xFF800000> : vector<256xf32>
    %reduce_max3A_14 = vector.multi_reduction <maximumf>, %div3A_12, %reduce_max3A_13 [1] : vector<256x8xf32> to vector<256xf32>
    %broadcast_in_dim3A_15 = vector.shape_cast %reduce_max3A_14 : vector<256xf32> to vector<256x1xf32>
    %eq3A_16 = vector.broadcast %broadcast_in_dim3A_15 : vector<256x1xf32> to vector<256x8xf32>
    %eq3A_17 = arith.cmpf oeq, %div3A_12, %eq3A_16 : vector<256x8xf32>
    %jit3A = arith.constant 8 : i32
    %broadcast_in_dim3A_18 = vector.broadcast %jit3A : i32 to vector<256x8xi32>
    %select_n3A = arith.select %eq3A_17, %iota3A, %broadcast_in_dim3A_18 : vector<256x8xi1>, vector<256x8xi32>
    %reduce_min3A = arith.constant dense<2147483647> : vector<256xi32>
    %reduce_min3A_19 = vector.multi_reduction <minsi>, %select_n3A, %reduce_min3A [1] : vector<256x8xi32> to vector<256xi32>
    %broadcast_in_dim3A_20 = vector.shape_cast %reduce_min3A_19 : vector<256xi32> to vector<256x1xi32>
    %eq3A_21 = vector.broadcast %broadcast_in_dim3A_20 : vector<256x1xi32> to vector<256x8xi32>
    %eq3A_22 = arith.cmpi eq, %iota3A, %eq3A_21 : vector<256x8xi32>
    %convert_element_type3A_23 = arith.extui %eq3A_22 : vector<256x8xi1> to vector<256x8xi32>
    %convert_element_type3A_24 = arith.sitofp %convert_element_type3A_23 : vector<256x8xi32> to vector<256x8xf32>
    %iota3A_25 = tpu.iota {dimensions = array<i32: 0>} : vector<256x256xi32>
    %iota3A_26 = tpu.iota {dimensions = array<i32: 1>} : vector<256x256xi32>
    %le3A = arith.cmpi sle, %iota3A_26, %iota3A_25 : vector<256x256xi32>
    %convert_element_type3A_27 = arith.extui %le3A : vector<256x256xi1> to vector<256x256xi32>
    %convert_element_type3A_28 = arith.sitofp %convert_element_type3A_27 : vector<256x256xi32> to vector<256x256xf32>
    %dot_general3A_29 = arith.constant dense<0.000000e+00> : vector<256x8xf32>
    %dot_general3A_30 = tpu.matmul %convert_element_type3A_28, %convert_element_type3A_24, %dot_general3A_29 {dimension_numbers = #tpu.dot_dimension_numbers<[1], [0], [0], [1], [0, 0, 1, 1], [], []>, transpose_lhs_hint = false} : vector<256x256xf32>, vector<256x8xf32>, vector<256x8xf32> -> vector<256x8xf32>
    %get3A_31 = arith.constant 0 : index
    %get3A_32 = arith.constant 0 : index
    %get3A_33 = vector.load %arg6[%get3A_31, %get3A_32] : memref<1x8xf32, #tpu.memory_space<vmem>>, vector<1x8xf32>
    %add3A = vector.broadcast %get3A_33 : vector<1x8xf32> to vector<256x8xf32>
    %add3A_34 = arith.addf %dot_general3A_30, %add3A : vector<256x8xf32>
    %sub3A_35 = arith.constant 1.000000e+00 : f32
    %sub3A_36 = vector.broadcast %sub3A_35 : f32 to vector<256x8xf32>
    %sub3A_37 = arith.subf %add3A_34, %sub3A_36 : vector<256x8xf32>
    %mul3A = arith.mulf %sub3A_37, %convert_element_type3A_24 : vector<256x8xf32>
    %reduce_sum3A_38 = arith.constant dense<0.000000e+00> : vector<256xf32>
    %reduce_sum3A_39 = vector.multi_reduction <add>, %mul3A, %reduce_sum3A_38 [1] : vector<256x8xf32> to vector<256xf32>
    %broadcast_in_dim3A_40 = vector.shape_cast %reduce_sum3A_39 : vector<256xf32> to vector<256x1xf32>
    %lt3A = arith.constant 5.120000e+02 : f32
    %lt3A_41 = vector.broadcast %lt3A : f32 to vector<256x1xf32>
    %lt3A_42 = arith.cmpf olt, %broadcast_in_dim3A_40, %lt3A_41 : vector<256x1xf32>
    %mul3A_43 = arith.constant 512 : i32
    %mul3A_44 = vector.broadcast %mul3A_43 : i32 to vector<256x1xi32>
    %mul3A_45 = arith.muli %broadcast_in_dim3A_20, %mul3A_44 : vector<256x1xi32>
    %convert_element_type3A_46 = arith.fptosi %broadcast_in_dim3A_40 : vector<256x1xf32> to vector<256x1xi32>
    %add3A_47 = arith.addi %mul3A_45, %convert_element_type3A_46 : vector<256x1xi32>
    %jit3A_48 = arith.constant -1 : i32
    %broadcast_in_dim3A_49 = vector.broadcast %jit3A_48 : i32 to vector<256x1xi32>
    %select_n3A_50 = arith.select %lt3A_42, %add3A_47, %broadcast_in_dim3A_49 : vector<256x1xi1>, vector<256x1xi32>
    %iota3A_51 = tpu.iota {dimensions = array<i32: 1>} : vector<256x4096xi32>
    %eq3A_52 = vector.broadcast %select_n3A_50 : vector<256x1xi32> to vector<256x4096xi32>
    %eq3A_53 = arith.cmpi eq, %iota3A_51, %eq3A_52 : vector<256x4096xi32>
    %jit3A_54 = arith.constant 0.000000e+00 : f32
    %broadcast_in_dim3A_55 = vector.shape_cast %broadcast_in_dim3A_15 : vector<256x1xf32> to vector<256x1xf32>
    %broadcast_in_dim3A_56 = vector.broadcast %broadcast_in_dim3A_55 : vector<256x1xf32> to vector<256x4096xf32>
    %broadcast_in_dim3A_57 = vector.broadcast %jit3A_54 : f32 to vector<256x4096xf32>
    %select_n3A_58 = arith.select %eq3A_53, %broadcast_in_dim3A_56, %broadcast_in_dim3A_57 : vector<256x4096xi1>, vector<256x4096xf32>
    %swap3A = arith.constant 0 : index
    %swap3A_59 = arith.constant 0 : index
    %swap3A_60 = vector.load %arg4[%swap3A, %swap3A_59] : memref<256x4096xf32, #tpu.memory_space<vmem>>, vector<256x4096xf32>
    tpu.vector_store %arg4[%swap3A, %swap3A_59], %select_n3A_58 {strides = array<i32>} : memref<256x4096xf32, #tpu.memory_space<vmem>>, vector<256x4096xf32>,
    %swap3A_61 = arith.constant 0 : index
    %swap3A_62 = arith.constant 0 : index
    %swap3A_63 = vector.load %arg5[%swap3A_61, %swap3A_62] : memref<256x4096xi32, #tpu.memory_space<vmem>>, vector<256x4096xi32>
    %swap3A_64 = arith.extui %eq3A_53 : vector<256x4096xi1> to vector<256x4096xi32>
    %swap3A_65 = arith.constant dense<0> : vector<256x4096xi32>
    %swap3A_66 = arith.cmpi ne, %swap3A_63, %swap3A_65 : vector<256x4096xi32>
    tpu.vector_store %arg5[%swap3A_61, %swap3A_62], %swap3A_64 {strides = array<i32>} : memref<256x4096xi32, #tpu.memory_space<vmem>>, vector<256x4096xi32>,
    %reduce_sum3A_67 = arith.constant dense<0.000000e+00> : vector<8xf32>
    %reduce_sum3A_68 = vector.multi_reduction <add>, %convert_element_type3A_24, %reduce_sum3A_67 [0] : vector<256x8xf32> to vector<8xf32>
    %broadcast_in_dim3A_69 = vector.shape_cast %reduce_sum3A_68 : vector<8xf32> to vector<1x8xf32>
    %add3A_70 = arith.addf %get3A_33, %broadcast_in_dim3A_69 : vector<1x8xf32>
    %swap3A_71 = arith.constant 0 : index
    %swap3A_72 = arith.constant 0 : index
    %swap3A_73 = vector.load %arg6[%swap3A_71, %swap3A_72] : memref<1x8xf32, #tpu.memory_space<vmem>>, vector<1x8xf32>
    tpu.vector_store %arg6[%swap3A_71, %swap3A_72], %add3A_70 {strides = array<i32>} : memref<1x8xf32, #tpu.memory_space<vmem>>, vector<1x8xf32>,
    %get3A_74 = arith.constant 0 : index
    %get3A_75 = arith.constant 0 : index
    %get3A_76 = vector.load %arg7[%get3A_74, %get3A_75] : memref<1x8xf32, #tpu.memory_space<vmem>>, vector<1x8xf32>
    %reduce_sum3A_77 = arith.constant dense<0.000000e+00> : vector<8xf32>
    %reduce_sum3A_78 = vector.multi_reduction <add>, %div3A_12, %reduce_sum3A_77 [0] : vector<256x8xf32> to vector<8xf32>
    %broadcast_in_dim3A_79 = vector.shape_cast %reduce_sum3A_78 : vector<8xf32> to vector<1x8xf32>
    %add3A_80 = arith.addf %get3A_76, %broadcast_in_dim3A_79 : vector<1x8xf32>
    %swap3A_81 = arith.constant 0 : index
    %swap3A_82 = arith.constant 0 : index
    %swap3A_83 = vector.load %arg7[%swap3A_81, %swap3A_82] : memref<1x8xf32, #tpu.memory_space<vmem>>, vector<1x8xf32>
    tpu.vector_store %arg7[%swap3A_81, %swap3A_82], %add3A_80 {strides = array<i32>} : memref<1x8xf32, #tpu.memory_space<vmem>>, vector<1x8xf32>,
    %eq3A_84 = arith.constant 15 : i32
    %eq3A_85 = arith.cmpi eq, %arg0, %eq3A_84 : i32
    %convert_element_type3A_86 = arith.extui %eq3A_85 : i1 to i32
    %cond3A_87 = arith.constant 0 : i32
    %cond3A_88 = arith.cmpi ne, %convert_element_type3A_86, %cond3A_87 : i32
    scf.if %cond3A_88 {
      %get3A_89 = arith.constant 0 : index
      %get3A_90 = arith.constant 0 : index
      %get3A_91 = vector.load %arg6[%get3A_89, %get3A_90] : memref<1x8xf32, #tpu.memory_space<vmem>>, vector<1x8xf32>
      %get3A_92 = arith.constant 0 : index
      %get3A_93 = arith.constant 0 : index
      %get3A_94 = vector.load %arg7[%get3A_92, %get3A_93] : memref<1x8xf32, #tpu.memory_space<vmem>>, vector<1x8xf32>
      %mul3A_95 = arith.mulf %get3A_91, %get3A_94 : vector<1x8xf32>
      %reduce_sum3A_96 = vector.shape_cast %mul3A_95 : vector<1x8xf32> to vector<1x1x8xf32>
      %reduce_sum3A_97 = arith.constant dense<0.000000e+00> : vector<1xf32>
      %reduce_sum3A_98 = vector.multi_reduction <add>, %reduce_sum3A_96, %reduce_sum3A_97 [1, 2] : vector<1x1x8xf32> to vector<1xf32>
      %reduce_sum3A_99 = vector.shape_cast %reduce_sum3A_98 : vector<1xf32> to vector<1x1x1xf32>
      %reduce_sum3A_100 = vector.extract %reduce_sum3A_99[0, 0, 0] : f32 from vector<1x1x1xf32>
      %broadcast_in_dim3A_101 = vector.broadcast %reduce_sum3A_100 : f32 to vector<1x1xf32>
      %div3A_102 = arith.constant 0x4B800000 : f32
      %div3A_103 = vector.broadcast %div3A_102 : f32 to vector<1x1xf32>
      %div3A_104 = arith.divf %broadcast_in_dim3A_101, %div3A_103 : vector<1x1xf32>
      %mul3A_105 = arith.constant 8.000000e+00 : f32
      %mul3A_106 = vector.broadcast %mul3A_105 : f32 to vector<1x1xf32>
      %mul3A_107 = arith.mulf %div3A_104, %mul3A_106 : vector<1x1xf32>
      %swap3A_108 = arith.constant 0 : index
      %swap3A_109 = arith.constant 0 : index
      %swap3A_110 = vector.load %arg3[%swap3A_108, %swap3A_109] : memref<1x1xf32, #tpu.memory_space<vmem>>, vector<1x1xf32>
      tpu.vector_store %arg3[%swap3A_108, %swap3A_109], %mul3A_107 {strides = array<i32>} : memref<1x1xf32, #tpu.memory_space<vmem>>, vector<1x1xf32>,
    } else {
    }
    return
  }
  func.func @transform_0(%arg0: i32) -> (i32, i32) {
    %c0_i32 = arith.constant 0 : i32
    %c0_i32_0 = arith.constant 0 : i32
    return %arg0, %c0_i32 : i32, i32
  }
  func.func @transform_1(%arg0: i32) -> (i32, i32) {
    %c0_i32 = arith.constant 0 : i32
    %c0_i32_0 = arith.constant 0 : i32
    %c0_i32_1 = arith.constant 0 : i32
    return %c0_i32, %c0_i32_0 : i32, i32
  }
  func.func @transform_2(%arg0: i32) -> (i32, i32) {
    %c0_i32 = arith.constant 0 : i32
    %c0_i32_0 = arith.constant 0 : i32
    %c0_i32_1 = arith.constant 0 : i32
    return %c0_i32, %c0_i32_0 : i32, i32
  }
  func.func @transform_3(%arg0: i32) -> (i32, i32) {
    %c0_i32 = arith.constant 0 : i32
    %c0_i32_0 = arith.constant 0 : i32
    return %arg0, %c0_i32 : i32, i32
  }
  func.func @transform_4(%arg0: i32) -> (i32, i32) {
    %c0_i32 = arith.constant 0 : i32
    %c0_i32_0 = arith.constant 0 : i32
    return %arg0, %c0_i32 : i32, i32
  }
}

</mosaic_0001>

<sc_bundles>
// kernel: sparse-core-data-format-call.cloned.1.call-start
scs
called_computation_lowered:
.L_overlay_start_0:
0x0: {  	s2 =	sld [smem:$0x3FD9]  }
0x1: {  	s3 =	sld [smem:$0x3FFE];
	_ =	sdelay $0x1  }
0x2: {  	s1 =	srdreg.scid  }
0x3: {  	s0 =	sand.u32 $0x1, s1  }
0x4: {  	s15 =	sshll.u32 s0, $0xA;
	s2 =	sadd.s32 s3, s2  }
0x5: {  	s2 =	sadd.s32 s2, s15  }
0x6: {  	[smem:$0x3FC6] =	sst s2  }
0x7: {  	_ = 	snop  }
0x8: {  	s2 =	sld [smem:$0x3FD0];
	_ =	sdelay $0x2  }
0x9: {  	s16 =	simm.s32 $0xA;
	s4 =	simm.s32 $0x10  }
0xa: {  	[smem:s4], [sflag:s16] =	dma.local [hbm:s2], $0x1  }
0xb: {  	_ =	swait.eq [sflag:s16], $0x1  }
0xc: {  	[sflag:s16] =	ssyncset.done $0x0  }
0xd: {  	[sflag:s16] =	ssyncadd.s32 $0xFFFFFFFF  }
0xe: {  	s17 =	sld [smem:$0x11];
	(tm) =	ssettm $0x1  }
0xf: {  	s18 =	sld [smem:$0x3FFB];
	_ =	sdelay $0x3  }
0x10: {  	_ =	strace s18  }
0x11: {  	s3 =	sld [smem:$0x3FFC];
	_ =	sdelay $0x3  }
0x12: {  	_ =	strace s3  }
0x13: {  	s3 =	sld [smem:$0x3FFD];
	_ =	sdelay $0x3  }
0x14: {  	_ =	strace s3  }
0x15: {  	_ =	strace $0x8FFFFFFF  }
0x16: {  	s19 =	sld [smem:$0x3FDB];
	_ =	sdelay $0x1  }
0x17: {  	s20 =	simm.s32 $_scs_section_size  }
0x18: {  	s5 =	simm.s32 $_size__tile_overlayer_lowered;
	s6 =	simm.s32 $_tile_overlayer_lowered  }
0x19: {  	s23 =	simm.s32 $0x1BFF;
	s22 =	sshll.u32 s6, $0x1;
	s3 =	sadd.s32 s20, s19  }
0x1a: {  	s7 =	simm.s32 $0x0;
	s21 =	sshll.u32 s5, $0x1;
	s5 =	sadd.s32 s22, s3  }
0x1b: {  	[timem:s7], [sflag:s23] =	dma.local [hbm:s5], s21  }
0x1c: {  	_ =	swait.ge [sflag:s23], s21  }
0x1d: {  	s4 =	ssub.s32 $0x0, s21;
	[sflag:s23] =	ssyncset.done $0x0  }
0x1e: {  	[sflag:s23] =	ssyncadd.s32 s4;
	_ =	sdelay $0x1  }
0x1f: {  	s24 =	simm.s32 $0x1B8B  }
0x20: {  	_ =	swait.ge [sflag:s24], $0x1  }
0x21: {  	[sflag:s24] =	ssyncset.done $0x0  }
0x22: {  	s26 =	simm.s32 $0x1B8E;
	s25 =	sld [smem:$0x3FFE];
	[sflag:s24] =	ssyncadd.s32 $0xFFFFFFFF  }
0x23: {  	s27 =	simm.s32 $execute0_lowered;
	[smem:$0x3FD2] =	sst s26  }
0x24: {  	s5 =	sshll.u32 s27, $0x1;
	_ =	strace $0x80000046;
	[dreg:$0x1] =	wrdreg $0xFFFFFFFF  }
0x25: {  	s28 =	simm.s32 $_size_execute0_lowered;
	s3 =	sadd.s32 s3, s5;
	[dreg:$0x0] =	wrdreg $0x0  }
0x26: {  	s5 =	sshll.u32 s28, $0x1;
	[dreg:$0x2] =	wrdreg s3  }
0x27: {  	[dreg:$0x3] =	wrdreg s5  }
0x28: {  	[dreg:$0x4] =	wrdreg $0xC0  }
0x29: {  	_ =	task [dreg:s7], $0x5FFFF  }
0x2a: {  	[dreg:$0x1] =	wrdreg $0xFFFFFFFF  }
0x2b: {  	[dreg:$0x0] =	wrdreg $0x60  }
0x2c: {  	[dreg:$0x2] =	wrdreg s25  }
0x2d: {  	[dreg:$0x3] =	wrdreg s17  }
0x2e: {  	[dreg:$0x4] =	wrdreg $0x9  }
0x2f: {  	_ =	task.clear_ibuf [dreg:s7], $0x5FFFF;
	_ =	strace $0x90000046  }
0x30: {  	s29 =	simm.s32 $0x9;
	_ =	strace $0x80000048  }
0x31: {  	_ =	swait.ge [sflag:s29], $0x1  }
0x32: {  	[sflag:s29] =	ssyncadd.s32 $0xFFFFFFFF  }
0x33: {  	_ =	strace $0x90000048  }
0x34: {  	_ =	sfence  }
0x35: {  	s30 =	sld [smem:$0x0];
	_ =	sdelay $0x2  }
0x36: {  	s31 =	sshll.u32 s1, $0xD;
	s1 =	sshrl.u32 s1, $0x2  }
0x37: {  	s3 =	sand.u32 $0x4000, s31;
	s1 =	sadd.s32 s1, s30  }
0x38: {  	s0 =	sor.u32 s3, s0;
	s1 =	sshll.u32 s1, $0x11  }
0x39: {  	s0 =	sor.u32 s1, s0  }
0x3a: {  	s0 =	sadd.s32 $0x8F2B, s0  }
0x3b: {  	[sflag:s0] =	ssyncadd.remote.s32 $0x1  }
0x3c: {  	_ =	sfence.sel $0xFFFF  }
0x3d: {  	[dreg:$0x0] =	wrdreg $0xFFFFFFFF;
	(pc) =	sbr.abs _section_cstart, $3  }
0x3e: {  	[dreg:$0x1] =	wrdreg $0xFFFFFFFF  }
0x3f: {  	_ =	task.clear_ibuf [dreg:s7], $0x2FFFF;
	_ =	strace $0x9FFFFFFF  }
0x40: {  	(tm) =	ssettm $0x7FFFFFFF  }
0x41: {  	_ =	shalt  }
tec
execute0_lowered:
.L_overlay_start_1:
0x0: {  	(tag) =	ssettag $0x1  }
0x1: {  	s1 =	rddreg [dreg:$0x0]  }
0x2: {  	s2 =	rddreg [dreg:$0x1]  }
0x3: {  	s0 =	rddreg [dreg:$0x2];
	_ =	strace $0x80000047;
	s4 =	srdreg.scid  }
0x4: {  	s6 =	simm.s32 $0x2;
	s12 =	simm.s32 $0x0;
	p0 =	por $0x0, $0x0  }
0x5: {  	s13 =	simm.s32 $0x0;
	s15 =	simm.s32 $0x0;
	s14 =	simm.s32 $0x0  }
.Ltmp0:
0x6: {  	s8 =	simm.s32 $0x0;
	s9 =	simm.s32 $0x0;
	(pc) =	sbr.rel .LBB1_1-.Ltmp0, $4  }
0x7: {  	s10 =	simm.s32 $0x0;
	s3 =	sadd.s32 $0x200800, s1;
	s5 =	sshll.u32 s4, $0x4  }
0x8: {  	s1 =	stileid.u32;
	s4 =	simm.s32 $0x1;
	s5 =	sand.u32 $0x10, s5  }
0x9: {  	s7 =	simm.s32 $0x0;
	[sflag:s4] =	ssyncpa.u1 $0x0;
	s5 =	sor.u32 s1, s5  }
0xa: {  	[sflag:s6] =	ssyncpa.u1 $0x0;
	s6 =	simm.s32 $0x1000;
	s11 =	smov.u32 s5  }
.LBB1_7:
0xb: {  	s16 =	sadd.s32 $0x100, s8  }
0xc: {  	s12 =	sadd.s32 $0x8, s9;
	s17 =	smov.u32 s9;
	p2 =	sgt.s32 s16, $0x1FF  }
0xd: {  	s17 =	smov.u32 @p2 s12  }
0xe: {  	s18 =	smov.u32 s10;
	s12 =	sadd.s32 $0x8, s10;
	p3 =	sgt.s32 s17, $0x7  }
0xf: {  	s18 =	smov.u32 @p3 s12  }
0x10: {  	s19 =	smov.u32 s11;
	s12 =	sadd.s32 $0x20, s11;
	p4 =	sgt.s32 s18, $0x7  }
0x11: {  	p1 =	slt.u32 s7, $0x2;
	s19 =	smov.u32 @p4 s12  }
0x12: {  	s7 =	sadd.s32 $0x1, s7;
	s16 =	simm.s32 @p2 $0x0;
	p2 =	sgt.s32 s19, $0x1FF  }
0x13: {  	s20 =	simm.s32 @!p1 $0x2;
	s19 =	smov.u32 @p2 s5;
	p2 =	sne.s32 s7, $0x22  }
.Ltmp1:
0x14: {  	s13 =	smov.u32 s9;
	_ =	swait.ge @!p1 [sflag:s20], $0x4000;
	(pc) =	sbr.rel @!p2 .LBB1_8-.Ltmp1, $4  }
0x15: {  	s15 =	smov.u32 s10;
	s14 =	smov.u32 s11;
	[sflag:s20] =	ssyncset.done @!p1 $0x0  }
0x16: {  	p0 =	por !p0, !p0;
	s17 =	simm.s32 @p3 $0x0;
	[sflag:s20] =	ssyncadd.s32 @!p1 $0xFFFFC000  }
0x17: {  	s9 =	smov.u32 s17;
	s18 =	simm.s32 @p4 $0x0;
	s12 =	smov.u32 s8  }
0x18: {  	s8 =	smov.u32 s16;
	s10 =	smov.u32 s18;
	s11 =	smov.u32 s19  }
.LBB1_1:
0x19: {  	p1 =	sgt.u32 s7, $0x1F  }
0x1a: {  	s16 =	sxor.u32 @!p1 $0xFFFFFFFF, s7;
	s17 =	sshll.u32 @!p1 s8, $0x3  }
0x1b: {  	s18 =	sshll.u32 @!p1 s9, $0x7;
	s19 =	sand.u32 @!p1 $0x78, s8;
	s20 =	sshll.u32 @!p1 s11, $0xC  }
0x1c: {  	s21 =	sshll.u32 @!p1 s10, $0x9;
	s16 =	sshll.u32 @!p1 s16, $0xE;
	s18 =	sand.u32 @!p1 $0x380, s18  }
0x1d: {  	s17 =	sand.u32 @!p1 $0xC00, s17;
	s16 =	sand.u32 @!p1 $0x4000, s16;
	s18 =	sor.u32 @!p1 s19, s18  }
0x1e: {  	s19 =	sand.u32 @!p1 $0x7, s8;
	s17 =	sor.u32 @!p1 s17, s18;
	s18 =	sadd.s32 @!p1 s3, s20  }
0x1f: {  	s19 =	sshll.u32 @!p1 s19, $0x12;
	s17 =	sshrl.u32 @!p1 s17, $0x3;
	s18 =	sadd.s32 @!p1 s21, s18  }
0x20: {  	s17 =	sadd.s32 @!p1 s17, s18;
	s18 =	sor.u32 @!p1 $0x800, s19;
	s19 =	simm.s32 @!p1 $0x1000  }
0x21: {  	[tilespmem:s16], [sflag:$0x1] =	stream.strided.gather @!p1 [hbm4b:s17+s18], $0x4000, s19, s18, $0x38;
	[tilespmem:$0x10000] =	vst v63  }
0x22: {  	p1 =	seq.s32 s7, $0x0  }
0x23: {  	p2 =	seq.s32 @!p1 s7, $0x21  }
0x24: {  	p1 =	por p1, p2  }
.Ltmp2:
0x25: {  	_ = 	snop;
	(pc) =	sbr.rel @p1 .LBB1_7-.Ltmp2, $1  }
0x26: {  	_ =	sdelay $0x3  }
0x27: {  	s16 =	simm.s32 $0x1;
	_ =	swait.ge [sflag:s4], $0x4000  }
0x28: {  	s31 =	sshll.u32 s7, $0xE;
	s21 =	simm.s32 $0x0;
	p1 =	por $0x0, $0x0  }
0x29: {  	s22 =	simm.s32 $0x0;
	s23 =	simm.s32 $0x0;
	s16 =	simm.s32 @!p0 $0x0  }
0x2a: {  	[sflag:s4] =	ssyncset.done $0x0;
	s19 =	sand.u32 $0x4000, s31;
	s16 =	sshll.u32 s16, $0x10  }
0x2b: {  	[sflag:s4] =	ssyncadd.s32 $0xFFFFC000;
	s20 =	sshrl.u32 s16, $0x2;
	s16 =	sor.u32 $0x8000, s19  }
0x2c: {  	s17 =	sor.u32 $0x40, s20;
	s18 =	sor.u32 $0x8410, s20;
	s20 =	sadd.s32 $0x8400, s20  }
.LBB1_3:
0x2d: {  	v1 =	vld [tilespmem:s17+$0xFFFFFFD0]  }
0x2e: {  	v2 =	vld [tilespmem:s17+$0x430]  }
0x2f: {  	s24 =	sshll.u32 s23, $0xB;
	v4 =	vld [tilespmem:s17+$0xFFFFFFE0]  }
0x30: {  	v7 =	vld [tilespmem:s17+$0xFFFFFFF0];
	v0 =	vmov s24  }
0x31: {  	v8 =	vld [tilespmem:s17+$0x0]  }
0x32: {  	s30 =	sand.u32 $0x300, s21;
	v9 =	vld [tilespmem:s17+$0x10]  }
0x33: {  	s25 =	sand.u32 $0x80, s21;
	v10 =	vld [tilespmem:s17+$0x20];
	s24 =	sadd.s32 s30, s19  }
0x34: {  	v11 =	vld [tilespmem:s17+$0x30];
	s24 =	sadd.s32 s25, s24;
	s25 =	simm.s32 $0x1;
	[tilespmem:s18+$0x60] =	vst v2  }
0x35: {  	s31 =	sshll.u32 s22, $0x2;
	s25 =	simm.s32 @!p1 $0x0;
	[tilespmem:s18+$0xFFFFFC00] =	vst v1;
	v3 =	vld.idx.msk [tilespmem:v0+s24+$0x400 ss:$0x1], $0xffff  }
0x36: {  	v6 =	vld [tilespmem:s17+$0x3D0];
	s25 =	sshll.u32 s25, $0x9;
	[tilespmem:s18+$0xFFFFFC10] =	vst v4;
	s24 =	sand.u32 $0xFFFFFC00, s31  }
0x37: {  	v5 =	vld [tilespmem:s17+$0x3E0];
	[tilespmem:s18+$0xFFFFFC20] =	vst v7;
	s24 =	sor.u32 s25, s24  }
0x38: {  	[tilespmem:s18+$0xFFFFFC30] =	vst v8;
	v4 =	vld [tilespmem:s17+$0x400];
	s24 =	sshrl.u32 s24, $0x2  }
0x39: {  	[tilespmem:s18+$0xFFFFFC40] =	vst v9;
	v1 =	vld [tilespmem:s17+$0x410];
	s24 =	sadd.s32 s24, s20  }
0x3a: {  	[tilespmem:s24+$0x0] =	vst v3;
	v3 =	vld [tilespmem:s17+$0x3F0]  }
0x3b: {  	s28 =	simm.s32 $0x80;
	s27 =	simm.s32 $0x100;
	[tilespmem:s18+$0xFFFFFC50] =	vst v10;
	v2 =	vld [tilespmem:s17+$0x420]  }
0x3c: {  	s26 =	smov.u32 s18;
	s29 =	sand.u32 $0x300, s28;
	v7 =	vld [tilespmem:s17+$0xFFFFFFC0];
	[tilespmem:s18+$0xFFFFFC60] =	vst v11;
	s25 =	sadd.s32 $0x80, s17  }
.LBB1_4:
0x3d: {  	p2 =	sne.s32 s27, $0x380;
	v8 =	vld [tilespmem:s25+$0xFFFFFFD0];
	s28 =	sand.u32 $0x80, s28;
	s29 =	sadd.s32 s29, s19;
	[tilespmem:s26+$0x0] =	vst v6  }
0x3e: {  	s29 =	sadd.s32 s28, s29;
	v6 =	vld [tilespmem:s25+$0x430];
	[tilespmem:s26+$0x10] =	vst v5;
	s28 =	smov.u32 s27  }
0x3f: {  	v5 =	vld.idx.msk [tilespmem:v0+s29+$0x400 ss:$0x1], $0xffff;
	[tilespmem:s26+$0x20] =	vst v3  }
0x40: {  	v3 =	vld [tilespmem:s25+$0xFFFFFFE0];
	[tilespmem:s26+$0x30] =	vst v4  }
0x41: {  	v4 =	vld [tilespmem:s25+$0xFFFFFFF0];
	[tilespmem:s26+$0xFFFFFBF0] =	vst v7  }
0x42: {  	v7 =	vld [tilespmem:s25+$0x0];
	[tilespmem:s26+$0x40] =	vst v1  }
0x43: {  	v1 =	vld [tilespmem:s25+$0x10];
	[tilespmem:s26+$0x50] =	vst v2;
	s26 =	sadd.s32 $0x800, s26  }
0x44: {  	s24 =	sadd.s32 $0x800, s24;
	v2 =	vld [tilespmem:s25+$0x20];
	[tilespmem:s26+$0x60] =	vst v6  }
0x45: {  	v9 =	vld [tilespmem:s25+$0x30];
	[tilespmem:s24+$0x0] =	vst v5  }
0x46: {  	[tilespmem:s26+$0xFFFFFC00] =	vst v8;
	v6 =	vld [tilespmem:s25+$0x3D0]  }
0x47: {  	[tilespmem:s26+$0xFFFFFC10] =	vst v3;
	v5 =	vld [tilespmem:s25+$0x3E0]  }
.Ltmp3:
0x48: {  	[tilespmem:s26+$0xFFFFFC20] =	vst v4;
	v3 =	vld [tilespmem:s25+$0x3F0];
	(pc) =	sbr.rel @p2 .LBB1_4-.Ltmp3, $4  }
0x49: {  	[tilespmem:s26+$0xFFFFFC30] =	vst v7;
	v4 =	vld [tilespmem:s25+$0x400]  }
0x4a: {  	[tilespmem:s26+$0xFFFFFC40] =	vst v1;
	v1 =	vld [tilespmem:s25+$0x410]  }
0x4b: {  	[tilespmem:s26+$0xFFFFFC50] =	vst v2;
	v2 =	vld [tilespmem:s25+$0x420]  }
0x4c: {  	s27 =	sadd.s32 $0x80, s27;
	s29 =	sand.u32 $0x300, s28;
	v7 =	vld [tilespmem:s25+$0xFFFFFFC0];
	[tilespmem:s26+$0xFFFFFC60] =	vst v9;
	s25 =	sadd.s32 $0x80, s25  }
0x4d: {  	[tilespmem:s26+$0x0] =	vst v6  }
0x4e: {  	[tilespmem:s26+$0x10] =	vst v5  }
0x4f: {  	v49 =	vld [tilespmem:s25+$0x430];
	[tilespmem:s26+$0x20] =	vst v3  }
0x50: {  	v50 =	vld [tilespmem:s25+$0xFFFFFFD0];
	[tilespmem:s26+$0x30] =	vst v4  }
0x51: {  	v51 =	vld [tilespmem:s25+$0xFFFFFFE0];
	[tilespmem:s26+$0x40] =	vst v1  }
0x52: {  	v52 =	vld [tilespmem:s25+$0xFFFFFFF0];
	[tilespmem:s26+$0x50] =	vst v2  }
0x53: {  	s31 =	sadd.s32 $0x800, s26;
	v53 =	vld [tilespmem:s25+$0x0];
	[tilespmem:s26+$0xFFFFFBF0] =	vst v7  }
0x54: {  	v54 =	vld [tilespmem:s25+$0x10];
	[tilespmem:s31+$0x60] =	vst v49  }
0x55: {  	v55 =	vld [tilespmem:s25+$0x20];
	[tilespmem:s31+$0xFFFFFC00] =	vst v50  }
0x56: {  	v56 =	vld [tilespmem:s25+$0x30];
	[tilespmem:s31+$0xFFFFFC10] =	vst v51  }
0x57: {  	v57 =	vld [tilespmem:s25+$0x3D0];
	[tilespmem:s31+$0xFFFFFC20] =	vst v52  }
0x58: {  	v58 =	vld [tilespmem:s25+$0x3E0];
	[tilespmem:s31+$0xFFFFFC30] =	vst v53  }
0x59: {  	v59 =	vld [tilespmem:s25+$0x3F0];
	[tilespmem:s31+$0xFFFFFC40] =	vst v54  }
0x5a: {  	v60 =	vld [tilespmem:s25+$0x400];
	[tilespmem:s31+$0xFFFFFC50] =	vst v55  }
0x5b: {  	v61 =	vld [tilespmem:s25+$0xFFFFFFC0];
	[tilespmem:s31+$0xFFFFFC60] =	vst v56  }
0x5c: {  	s27 =	sand.u32 $0x80, s28;
	s30 =	sadd.s32 s29, s19;
	v62 =	vld [tilespmem:s25+$0x410];
	[tilespmem:s31+$0x0] =	vst v57  }
0x5d: {  	v63 =	vld [tilespmem:s25+$0x420];
	s23 =	sadd.s32 $0x1, s23;
	s27 =	sadd.s32 s27, s30;
	[tilespmem:s31+$0x10] =	vst v58  }
0x5e: {  	p2 =	sne.s32 s23, $0x8;
	v0 =	vld.idx.msk [tilespmem:v0+s27+$0x400 ss:$0x1], $0xffff;
	[tilespmem:s31+$0x20] =	vst v59  }
.Ltmp4:
0x5f: {  	[tilespmem:s31+$0x30] =	vst v60;
	(pc) =	sbr.rel @p2 .LBB1_3-.Ltmp4, $4  }
0x60: {  	[tilespmem:s31+$0xFFFFFBF0] =	vst v61  }
0x61: {  	[tilespmem:s31+$0x40] =	vst v62  }
0x62: {  	s24 =	sadd.s32 $0x800, s24;
	s17 =	sadd.s32 $0x800, s17;
	[tilespmem:s31+$0x50] =	vst v63  }
0x63: {  	s22 =	sadd.s32 $0x80, s22;
	p1 =	por !p1, !p1;
	s18 =	sadd.s32 $0x80, s18;
	[tilespmem:s24+$0x0] =	vst v0  }
0x64: {  	s17 =	sshll.u32 s12, $0x3;
	s15 =	sshll.u32 s15, $0x7;
	s18 =	sand.u32 $0x78, s12  }
0x65: {  	s14 =	sshll.u32 s14, $0xC;
	s13 =	sshll.u32 s13, $0x9;
	s15 =	sand.u32 $0x380, s15  }
.Ltmp5:
0x66: {  	s17 =	sand.u32 $0xC00, s17;
	s15 =	sor.u32 s18, s15;
	(pc) =	sbr.rel .LBB1_7-.Ltmp5, $4  }
0x67: {  	s31 =	sand.u32 $0x7, s12;
	s14 =	sadd.s32 s2, s14;
	s15 =	sor.u32 s17, s15  }
0x68: {  	s12 =	sshll.u32 s31, $0x12;
	s13 =	sadd.s32 s13, s14;
	s15 =	sshrl.u32 s15, $0x3  }
0x69: {  	s12 =	sor.u32 $0x800, s12;
	s13 =	sadd.s32 s15, s13  }
0x6a: {  	[hbm4b:s13+s12] =	stream.strided.scatter [tilespmem:s16], [sflag:$0x2], $0x4000, s6, s12, $0x38;
	[tilespmem:$0x10000] =	vst v63  }
.LBB1_8:
0x6b: {  	_ =	sfence.sel $0x180000  }
0x6c: {  	s2 =	simm.s32 $0x1;
	[bflag:$0x0] =	sbarrier.arrive $0xFFFF  }
0x6d: {  	s31 =	simm.s32 $0x2;
	[sflag:s2] =	ssyncpa.u1 $0x1  }
0x6e: {  	[sflag:s31] =	ssyncpa.u1 $0x1  }
0x6f: {  	p0 =	sne.s32 s1, $0x0;
	_ =	strace $0x90000047  }
0x70: {  	s0 =	sadd.s32 @!p0 $0x100000, s0;
	[bflag:$0x2] =	sbarrier.arrive $0xFFFF  }
0x71: {  	[sflag:s0] =	ssyncadd.tile.s32 @!p0 $0x1;
	_ =	shalt  }
.Lfunc_end1:
_tile_overlayer_lowered:
.L_overlay_start_2:
0x72: {  	(tag) =	ssettag $0x2  }
0x73: {  	s0 =	rddreg [dreg:$0x0];
	s2 =	stileid.u32  }
0x74: {  	s1 =	rddreg [dreg:$0x1];
	p0 =	sne.s32 s2, $0x0  }
0x75: {  	s3 =	rddreg [dreg:$0x2];
	[bflag:$0x3] =	sbarrier.arrive $0xFFFF;
	s2 =	simm.s32 @!p0 $0x1C01  }
0x76: {  	[timem:s3], [sflag:s2] =	dma.local @!p0 [hbm:s0], s1  }
0x77: {  	s0 =	simm.s32 @!p0 $0x1  }
0x78: {  	_ =	swait.ge @!p0 [sflag:s0], s1  }
0x79: {  	s1 =	ssub.s32 @!p0 $0x0, s1;
	[sflag:s0] =	ssyncset.done @!p0 $0x0  }
0x7a: {  	[sflag:s0] =	ssyncadd.s32 @!p0 s1  }
0x7b: {  	[bflag:$0x3] =	sbarrier.arrive $0xFFFF  }
0x7c: {  	_ =	shalt  }

</sc_bundles>
